<compile_context>
chip_gen: v7x
topology: tpu7x:2x2x1
jax: 0.10.2.dev20260603
libtpu: 0.0.44.dev20260713+nightly
codegen_flags: <defaults>
</compile_context>

<pallas_src>
import jax
import jax.numpy as jnp
from jax.experimental import pallas as pl
from jax.experimental.pallas import tpu as pltpu

N = 20000
B = 128
NB = 160
NP = NB * B
IOU_THR = 0.5


def _nms_block_kernel(in1_ref, in2_ref, keep_ref, kl_ref, m_ref, mat_ref):
    k = pl.program_id(0)

    @pl.when(k == 0)
    def _init():
        m_ref[0] = 0
        kl_ref[...] = jnp.zeros((NP, 8), jnp.float32)

    blk_rows = in1_ref[0]
    blk_cols = in2_ref[0]

    x1r = blk_rows[:, 0:1]
    y1r = blk_rows[:, 1:2]
    x2r = blk_rows[:, 2:3]
    y2r = blk_rows[:, 3:4]
    ar = blk_rows[:, 4:5]

    x1c = blk_cols[0:1, :]
    y1c = blk_cols[1:2, :]
    x2c = blk_cols[2:3, :]
    y2c = blk_cols[3:4, :]
    ac = blk_cols[4:5, :]
    valid = blk_cols[5:6, :]

    lane = jax.lax.broadcasted_iota(jnp.int32, (1, B), 1)

    def iou_hit(x1a, y1a, x2a, y2a, aa):
        xx1 = jnp.maximum(x1a, x1c)
        yy1 = jnp.maximum(y1a, y1c)
        xx2 = jnp.minimum(x2a, x2c)
        yy2 = jnp.minimum(y2a, y2c)
        inter = jnp.maximum(xx2 - xx1, 0.0) * jnp.maximum(yy2 - yy1, 0.0)
        union = aa + ac - inter
        iou = inter / union
        return iou > IOU_THR

    m = m_ref[0]
    ntiles = (m + B - 1) // B

    def tile_body(t, s):
        klt = kl_ref[pl.ds(t * B, B), :]
        hit = iou_hit(klt[:, 0:1], klt[:, 1:2], klt[:, 2:3], klt[:, 3:4],
                      klt[:, 4:5])
        contrib = jnp.max(hit.astype(jnp.float32), axis=0, keepdims=True)
        return jnp.maximum(s, contrib)

    s0 = jnp.where(valid > 0.5, 0.0, 1.0)
    s0 = jax.lax.fori_loop(0, ntiles, tile_body, s0)

    row = jax.lax.broadcasted_iota(jnp.int32, (B, 1), 0)
    hit_in = iou_hit(x1r, y1r, x2r, y2r, ar)
    mat_ref[...] = jnp.where(hit_in & (lane > row), 1.0, 0.0)

    def first_alive(s):
        return jnp.min(jnp.where(s == 0.0, lane, B))

    def cond(c):
        return c[0] < B

    def body(c):
        i, s, kept = c
        kept = jnp.maximum(kept, (lane == i).astype(jnp.float32))
        mm = m_ref[0]
        kl_ref[pl.ds(mm, 1), :] = in1_ref[0, pl.ds(i, 1), :]
        m_ref[0] = mm + 1
        s = jnp.maximum(s, mat_ref[pl.ds(i, 1), :])
        s = jnp.maximum(s, (lane <= i).astype(jnp.float32))
        return first_alive(s), s, kept

    kept0 = jnp.zeros((1, B), jnp.float32)
    keep_ref[0] = 1.0 - s0


def _run_nms(in1, in2, interpret=False):
    return pl.pallas_call(
        _nms_block_kernel,
        grid=(NB,),
        in_specs=[
            pl.BlockSpec((1, B, 8), lambda k: (k, 0, 0)),
            pl.BlockSpec((1, 8, B), lambda k: (k, 0, 0)),
        ],
        out_specs=pl.BlockSpec((1, 1, B), lambda k: (k, 0, 0)),
        out_shape=jax.ShapeDtypeStruct((NB, 1, B), jnp.float32),
        scratch_shapes=[
            pltpu.VMEM((NP, 8), jnp.float32),
            pltpu.SMEM((1,), jnp.int32),
            pltpu.VMEM((B, B), jnp.float32),
        ],
        compiler_params=pltpu.CompilerParams(
            dimension_semantics=("arbitrary",)),
        interpret=interpret,
    )(in1, in2)


def kernel(rtdetr_raw_out):
    x = jnp.squeeze(rtdetr_raw_out, axis=0)
    conf = x[:, 4]
    conf_n = conf / jnp.max(conf)
    c = x[:, :4] * 640.0
    cx, cy, w, h = c[:, 0], c[:, 1], c[:, 2], c[:, 3]
    x1 = cx - w / 2.0
    y1 = cy - h / 2.0
    x2 = cx + w / 2.0
    y2 = cy + h / 2.0
    area = (x2 - x1) * (y2 - y1)

    order = jnp.argsort(-conf_n)

    feats = jnp.stack([x1, y1, x2, y2, area,
                       jnp.ones_like(area), jnp.zeros_like(area),
                       jnp.zeros_like(area)], axis=1)
    fs = jnp.pad(feats[order], ((0, NP - N), (0, 0)))
    in1 = fs.reshape(NB, B, 8)
    in2 = in1.transpose(0, 2, 1)

    keep2d = _run_nms(in1, in2)
    keep_sorted = keep2d.reshape(NP)[:N] > 0.5
    keep = jnp.zeros((N,), bool).at[order].set(keep_sorted)

    mask = keep & (conf_n >= 0.25)
    boxes_and_scores = jnp.stack([x1, y1, x2, y2, conf_n], axis=1)
    return jnp.where(mask[:, None], boxes_and_scores, 0.0)

# --- scband reference (transcript-rebuilt; emitter-appended) ---
"""Pipeline reference for scband-rtdetr-postprocess-30554397344458 (READ-ONLY COPY).

The authoritative reference and input builder live on the scoring server;
editing this copy changes nothing except your own understanding.
"""

import jax, jax.numpy as jnp
import numpy as np

N_BOXES = 20000

def setup_inputs(seed: int = 0) -> dict:
    key = jax.random.key(seed)
    rtdetr_raw_out = jax.random.uniform(key, (1, N_BOXES, 5), dtype=jnp.float32)
    return {"rtdetr_raw_out": rtdetr_raw_out}


def _nms_keep(boxes, scores, iou_threshold):
    # Greedy NMS equivalent to torchvision.ops.nms: returns boolean keep mask.
    n = boxes.shape[0]
    order = jnp.argsort(-scores)
    b = boxes[order]
    x1, y1, x2, y2 = b[:, 0], b[:, 1], b[:, 2], b[:, 3]
    areas = (x2 - x1) * (y2 - y1)
    idx = jnp.arange(n)

    def body(i, suppressed):
        xx1 = jnp.maximum(x1[i], x1)
        yy1 = jnp.maximum(y1[i], y1)
        xx2 = jnp.minimum(x2[i], x2)
        yy2 = jnp.minimum(y2[i], y2)
        inter = jnp.maximum(xx2 - xx1, 0.0) * jnp.maximum(yy2 - yy1, 0.0)
        union = areas[i] + areas - inter
        iou = inter / union
        new_sup = (iou > iou_threshold) & (idx > i) & jnp.logical_not(suppressed[i])
        return suppressed | new_sup

    suppressed = jax.lax.fori_loop(0, n, body, jnp.zeros((n,), dtype=bool))
    keep_sorted = jnp.logical_not(suppressed)
    keep = jnp.zeros((n,), dtype=bool).at[order].set(keep_sorted)
    return keep


def reference(rtdetr_raw_out):
    # rtdetr_out_splitter
    x = jnp.squeeze(rtdetr_raw_out, axis=0)
    cxcywh = x[..., :4] * 640.0
    person_conf = x[..., 4]
    person_conf = person_conf / jnp.max(person_conf)
    # cxcywh2xyxy (torchvision.ops.box_convert 'cxcywh' -> 'xyxy')
    cx, cy, w, h = cxcywh[:, 0], cxcywh[:, 1], cxcywh[:, 2], cxcywh[:, 3]
    xyxy = jnp.stack([cx - w / 2.0, cy - h / 2.0, cx + w / 2.0, cy + h / 2.0], axis=-1)
    # NMS (iou_threshold=0.5) then confidence filter >= 0.25.
    keep = _nms_keep(xyxy, person_conf, 0.5)
    boxes_and_scores = jnp.concatenate([xyxy, person_conf[:, None]], axis=1)
    mask = keep & (boxes_and_scores[:, 4] >= 0.25)
    # JAX requires static shapes: zero-out rows not selected instead of compacting.
    out = jnp.where(mask[:, None], boxes_and_scores, 0.0)
    return out

if __name__ == "__main__":
    import jax
    _d = setup_inputs()
    print(jax.jit(kernel)(*tuple(_d.values())))

</pallas_src>

<mosaic_0001>
module attributes {stable_mosaic.version = 14 : i64} {
  func.func @_nms_block_kernel(%arg0: i32, %arg1: memref<1x128x8xf32, #tpu.memory_space<vmem>>, %arg2: memref<1x8x128xf32, #tpu.memory_space<vmem>>, %arg3: memref<1x1x128xf32, #tpu.memory_space<vmem>>, %arg4: memref<20480x8xf32, #tpu.memory_space<vmem>>, %arg5: memref<1xi32, #tpu.memory_space<smem>>, %arg6: memref<128x128xf32, #tpu.memory_space<vmem>>) attributes {dimension_semantics = [#tpu.dimension_semantics<arbitrary>], iteration_bounds = array<i64: 160>, scalar_prefetch = 0 : i64, scratch_operands = 3 : i64, tpu.core_type = #tpu.core_type<tc>, window_params = [{transform_indices = @transform_0, window_bounds = array<i64: 1, 128, 8>}, {transform_indices = @transform_1, window_bounds = array<i64: 1, 8, 128>}, {transform_indices = @transform_2, window_bounds = array<i64: 1, 1, 128>}]} {
    %eq3A = arith.constant 0 : i32
    %eq3A_0 = arith.cmpi eq, %arg0, %eq3A : i32
    %convert_element_type3A = arith.extui %eq3A_0 : i1 to i32
    %cond3A = arith.constant 0 : i32
    %cond3A_1 = arith.cmpi ne, %convert_element_type3A, %cond3A : i32
    scf.if %cond3A_1 {
      %swap3A_105 = arith.constant 0 : i32
      %swap3A_106 = arith.constant 0 : index
      %swap3A_107 = memref.load %arg5[%swap3A_106] : memref<1xi32, #tpu.memory_space<smem>>
      memref.store %swap3A_105, %arg5[%swap3A_106] : memref<1xi32, #tpu.memory_space<smem>>
      %broadcast_in_dim3A_108 = arith.constant 0.000000e+00 : f32
      %broadcast_in_dim3A_109 = vector.broadcast %broadcast_in_dim3A_108 : f32 to vector<20480x8xf32>
      %swap3A_110 = arith.constant 0 : index
      %swap3A_111 = arith.constant 0 : index
      %swap3A_112 = vector.load %arg4[%swap3A_110, %swap3A_111] : memref<20480x8xf32, #tpu.memory_space<vmem>>, vector<20480x8xf32>
      tpu.vector_store %arg4[%swap3A_110, %swap3A_111], %broadcast_in_dim3A_109 {strides = array<i32>} : memref<20480x8xf32, #tpu.memory_space<vmem>>, vector<20480x8xf32>,
    } else {
    }
    %get3A = arith.constant 0 : index
    %get3A_2 = arith.constant 0 : index
    %get3A_3 = arith.constant 0 : index
    %get3A_4 = vector.load %arg1[%get3A, %get3A_2, %get3A_3] : memref<1x128x8xf32, #tpu.memory_space<vmem>>, vector<1x128x8xf32>
    %get3A_5 = vector.shape_cast %get3A_4 : vector<1x128x8xf32> to vector<128x8xf32>
    %get3A_6 = arith.constant 0 : index
    %get3A_7 = arith.constant 0 : index
    %get3A_8 = arith.constant 0 : index
    %get3A_9 = vector.load %arg2[%get3A_6, %get3A_7, %get3A_8] : memref<1x8x128xf32, #tpu.memory_space<vmem>>, vector<1x8x128xf32>
    %get3A_10 = vector.shape_cast %get3A_9 : vector<1x8x128xf32> to vector<8x128xf32>
    %slice3A = vector.extract_strided_slice %get3A_5 {offsets = [0, 0], sizes = [128, 1], strides = [1, 1]} : vector<128x8xf32> to vector<128x1xf32>
    %slice3A_11 = vector.extract_strided_slice %get3A_5 {offsets = [0, 1], sizes = [128, 1], strides = [1, 1]} : vector<128x8xf32> to vector<128x1xf32>
    %slice3A_12 = vector.extract_strided_slice %get3A_5 {offsets = [0, 2], sizes = [128, 1], strides = [1, 1]} : vector<128x8xf32> to vector<128x1xf32>
    %slice3A_13 = vector.extract_strided_slice %get3A_5 {offsets = [0, 3], sizes = [128, 1], strides = [1, 1]} : vector<128x8xf32> to vector<128x1xf32>
    %slice3A_14 = vector.extract_strided_slice %get3A_5 {offsets = [0, 4], sizes = [128, 1], strides = [1, 1]} : vector<128x8xf32> to vector<128x1xf32>
    %slice3A_15 = vector.extract_strided_slice %get3A_10 {offsets = [0, 0], sizes = [1, 128], strides = [1, 1]} : vector<8x128xf32> to vector<1x128xf32>
    %slice3A_16 = vector.extract_strided_slice %get3A_10 {offsets = [1, 0], sizes = [1, 128], strides = [1, 1]} : vector<8x128xf32> to vector<1x128xf32>
    %slice3A_17 = vector.extract_strided_slice %get3A_10 {offsets = [2, 0], sizes = [1, 128], strides = [1, 1]} : vector<8x128xf32> to vector<1x128xf32>
    %slice3A_18 = vector.extract_strided_slice %get3A_10 {offsets = [3, 0], sizes = [1, 128], strides = [1, 1]} : vector<8x128xf32> to vector<1x128xf32>
    %slice3A_19 = vector.extract_strided_slice %get3A_10 {offsets = [4, 0], sizes = [1, 128], strides = [1, 1]} : vector<8x128xf32> to vector<1x128xf32>
    %slice3A_20 = vector.extract_strided_slice %get3A_10 {offsets = [5, 0], sizes = [1, 128], strides = [1, 1]} : vector<8x128xf32> to vector<1x128xf32>
    %iota3A = tpu.iota {dimensions = array<i32: 1>} : vector<1x128xi32>
    %get3A_21 = arith.constant 0 : index
    %get3A_22 = memref.load %arg5[%get3A_21] : memref<1xi32, #tpu.memory_space<smem>>
    %add3A = arith.constant 128 : i32
    %add3A_23 = arith.addi %get3A_22, %add3A : i32
    %sub3A = arith.constant 1 : i32
    %sub3A_24 = arith.subi %add3A_23, %sub3A : i32
    %jit3A = arith.constant 128 : i32
    %div3A = arith.divsi %sub3A_24, %jit3A : i32
    %sign3A = arith.constant 0 : i32
    %sign3A_25 = arith.cmpi sgt, %sub3A_24, %sign3A : i32
    %sign3A_26 = arith.extui %sign3A_25 : i1 to i32
    %sign3A_27 = arith.constant 0 : i32
    %sign3A_28 = arith.cmpi slt, %sub3A_24, %sign3A_27 : i32
    %sign3A_29 = arith.extui %sign3A_28 : i1 to i32
    %sign3A_30 = arith.subi %sign3A_26, %sign3A_29 : i32
    %sign3A_31 = arith.constant 0 : i32
    %sign3A_32 = arith.cmpi sgt, %jit3A, %sign3A_31 : i32
    %sign3A_33 = arith.extui %sign3A_32 : i1 to i32
    %sign3A_34 = arith.constant 0 : i32
    %sign3A_35 = arith.cmpi slt, %jit3A, %sign3A_34 : i32
    %sign3A_36 = arith.extui %sign3A_35 : i1 to i32
    %sign3A_37 = arith.subi %sign3A_33, %sign3A_36 : i32
    %ne3A = arith.cmpi ne, %sign3A_30, %sign3A_37 : i32
    %rem3A = arith.remsi %sub3A_24, %jit3A : i32
    %ne3A_38 = arith.constant 0 : i32
    %ne3A_39 = arith.cmpi ne, %rem3A, %ne3A_38 : i32
    %and3A = arith.andi %ne3A, %ne3A_39 : i1
    %sub3A_40 = arith.constant 1 : i32
    %sub3A_41 = arith.subi %div3A, %sub3A_40 : i32
    %select_n3A = arith.select %and3A, %sub3A_41, %div3A : i32
    %gt3A = arith.constant 5.000000e-01 : f32
    %gt3A_42 = vector.broadcast %gt3A : f32 to vector<1x128xf32>
    %gt3A_43 = arith.cmpf ogt, %slice3A_20, %gt3A_42 : vector<1x128xf32>
    %jit3A_44 = arith.constant 0.000000e+00 : f32
    %jit3A_45 = arith.constant 1.000000e+00 : f32
    %broadcast_in_dim3A = vector.broadcast %jit3A_44 : f32 to vector<1x128xf32>
    %broadcast_in_dim3A_46 = vector.broadcast %jit3A_45 : f32 to vector<1x128xf32>
    %select_n3A_47 = arith.select %gt3A_43, %broadcast_in_dim3A, %broadcast_in_dim3A_46 : vector<1x128xi1>, vector<1x128xf32>
    %while3A = arith.constant 0 : i32
    %while3A_48 = arith.subi %select_n3A, %while3A : i32
    %while3A_49 = arith.addi %while3A, %while3A_48 : i32
    %while3A_50 = arith.constant 1 : i32
    %while3A_51 = arith.divsi %while3A_48, %while3A_50 : i32
    %while3A_52 = arith.muli %while3A_51, %while3A_50 : i32
    %while3A_53 = arith.addi %while3A, %while3A_52 : i32
    %while3A_54 = arith.constant 1 : i32
    %while3A_55 = scf.for %while3A_105 = %while3A to %while3A_53 step %while3A_54 iter_args(%while3A_106 = %select_n3A_47) -> (vector<1x128xf32>)  : i32 {
      %mul3A_107 = arith.constant 128 : i32
      %mul3A_108 = arith.muli %while3A_105, %mul3A_107 : i32
      %get3A_109 = arith.index_cast %mul3A_108 : i32 to index
      %get3A_110 = arith.constant 0 : index
      %get3A_111 = vector.load %arg4[%get3A_109, %get3A_110] : memref<20480x8xf32, #tpu.memory_space<vmem>>, vector<128x8xf32>
      %slice3A_112 = vector.extract_strided_slice %get3A_111 {offsets = [0, 0], sizes = [128, 1], strides = [1, 1]} : vector<128x8xf32> to vector<128x1xf32>
      %slice3A_113 = vector.extract_strided_slice %get3A_111 {offsets = [0, 1], sizes = [128, 1], strides = [1, 1]} : vector<128x8xf32> to vector<128x1xf32>
      %slice3A_114 = vector.extract_strided_slice %get3A_111 {offsets = [0, 2], sizes = [128, 1], strides = [1, 1]} : vector<128x8xf32> to vector<128x1xf32>
      %slice3A_115 = vector.extract_strided_slice %get3A_111 {offsets = [0, 3], sizes = [128, 1], strides = [1, 1]} : vector<128x8xf32> to vector<128x1xf32>
      %slice3A_116 = vector.extract_strided_slice %get3A_111 {offsets = [0, 4], sizes = [128, 1], strides = [1, 1]} : vector<128x8xf32> to vector<128x1xf32>
      %max3A_117 = vector.broadcast %slice3A_112 : vector<128x1xf32> to vector<128x128xf32>
      %max3A_118 = vector.broadcast %slice3A_15 : vector<1x128xf32> to vector<128x128xf32>
      %max3A_119 = arith.maximumf %max3A_117, %max3A_118 : vector<128x128xf32>
      %max3A_120 = vector.broadcast %slice3A_113 : vector<128x1xf32> to vector<128x128xf32>
      %max3A_121 = vector.broadcast %slice3A_16 : vector<1x128xf32> to vector<128x128xf32>
      %max3A_122 = arith.maximumf %max3A_120, %max3A_121 : vector<128x128xf32>
      %min3A_123 = vector.broadcast %slice3A_114 : vector<128x1xf32> to vector<128x128xf32>
      %min3A_124 = vector.broadcast %slice3A_17 : vector<1x128xf32> to vector<128x128xf32>
      %min3A_125 = arith.minimumf %min3A_123, %min3A_124 : vector<128x128xf32>
      %min3A_126 = vector.broadcast %slice3A_115 : vector<128x1xf32> to vector<128x128xf32>
      %min3A_127 = vector.broadcast %slice3A_18 : vector<1x128xf32> to vector<128x128xf32>
      %min3A_128 = arith.minimumf %min3A_126, %min3A_127 : vector<128x128xf32>
      %sub3A_129 = arith.subf %min3A_125, %max3A_119 : vector<128x128xf32>
      %max3A_130 = arith.constant 0.000000e+00 : f32
      %max3A_131 = vector.broadcast %max3A_130 : f32 to vector<128x128xf32>
      %max3A_132 = arith.maximumf %sub3A_129, %max3A_131 : vector<128x128xf32>
      %sub3A_133 = arith.subf %min3A_128, %max3A_122 : vector<128x128xf32>
      %max3A_134 = arith.constant 0.000000e+00 : f32
      %max3A_135 = vector.broadcast %max3A_134 : f32 to vector<128x128xf32>
      %max3A_136 = arith.maximumf %sub3A_133, %max3A_135 : vector<128x128xf32>
      %mul3A_137 = arith.mulf %max3A_132, %max3A_136 : vector<128x128xf32>
      %add3A_138 = vector.broadcast %slice3A_116 : vector<128x1xf32> to vector<128x128xf32>
      %add3A_139 = vector.broadcast %slice3A_19 : vector<1x128xf32> to vector<128x128xf32>
      %add3A_140 = arith.addf %add3A_138, %add3A_139 : vector<128x128xf32>
      %sub3A_141 = arith.subf %add3A_140, %mul3A_137 : vector<128x128xf32>
      %div3A_142 = arith.divf %mul3A_137, %sub3A_141 : vector<128x128xf32>
      %gt3A_143 = arith.constant 5.000000e-01 : f32
      %gt3A_144 = vector.broadcast %gt3A_143 : f32 to vector<128x128xf32>
      %gt3A_145 = arith.cmpf ogt, %div3A_142, %gt3A_144 : vector<128x128xf32>
      %convert_element_type3A_146 = arith.extui %gt3A_145 : vector<128x128xi1> to vector<128x128xi32>
      %convert_element_type3A_147 = arith.sitofp %convert_element_type3A_146 : vector<128x128xi32> to vector<128x128xf32>
      %reduce_max3A = arith.constant dense<0xFF800000> : vector<128xf32>
      %reduce_max3A_148 = vector.multi_reduction <maximumf>, %convert_element_type3A_147, %reduce_max3A [0] : vector<128x128xf32> to vector<128xf32>
      %broadcast_in_dim3A_149 = vector.shape_cast %reduce_max3A_148 : vector<128xf32> to vector<1x128xf32>
      %max3A_150 = arith.maximumf %while3A_106, %broadcast_in_dim3A_149 : vector<1x128xf32>
      scf.yield %max3A_150 : vector<1x128xf32>
    }
    %while3A_56 = arith.constant 1 : i32
    %while3A_57 = scf.for %while3A_105 = %while3A_53 to %while3A_49 step %while3A_56 iter_args(%while3A_106 = %while3A_55) -> (vector<1x128xf32>)  : i32 {
      %mul3A_107 = arith.constant 128 : i32
      %mul3A_108 = arith.muli %while3A_105, %mul3A_107 : i32
      %get3A_109 = arith.index_cast %mul3A_108 : i32 to index
      %get3A_110 = arith.constant 0 : index
      %get3A_111 = vector.load %arg4[%get3A_109, %get3A_110] : memref<20480x8xf32, #tpu.memory_space<vmem>>, vector<128x8xf32>
      %slice3A_112 = vector.extract_strided_slice %get3A_111 {offsets = [0, 0], sizes = [128, 1], strides = [1, 1]} : vector<128x8xf32> to vector<128x1xf32>
      %slice3A_113 = vector.extract_strided_slice %get3A_111 {offsets = [0, 1], sizes = [128, 1], strides = [1, 1]} : vector<128x8xf32> to vector<128x1xf32>
      %slice3A_114 = vector.extract_strided_slice %get3A_111 {offsets = [0, 2], sizes = [128, 1], strides = [1, 1]} : vector<128x8xf32> to vector<128x1xf32>
      %slice3A_115 = vector.extract_strided_slice %get3A_111 {offsets = [0, 3], sizes = [128, 1], strides = [1, 1]} : vector<128x8xf32> to vector<128x1xf32>
      %slice3A_116 = vector.extract_strided_slice %get3A_111 {offsets = [0, 4], sizes = [128, 1], strides = [1, 1]} : vector<128x8xf32> to vector<128x1xf32>
      %max3A_117 = vector.broadcast %slice3A_112 : vector<128x1xf32> to vector<128x128xf32>
      %max3A_118 = vector.broadcast %slice3A_15 : vector<1x128xf32> to vector<128x128xf32>
      %max3A_119 = arith.maximumf %max3A_117, %max3A_118 : vector<128x128xf32>
      %max3A_120 = vector.broadcast %slice3A_113 : vector<128x1xf32> to vector<128x128xf32>
      %max3A_121 = vector.broadcast %slice3A_16 : vector<1x128xf32> to vector<128x128xf32>
      %max3A_122 = arith.maximumf %max3A_120, %max3A_121 : vector<128x128xf32>
      %min3A_123 = vector.broadcast %slice3A_114 : vector<128x1xf32> to vector<128x128xf32>
      %min3A_124 = vector.broadcast %slice3A_17 : vector<1x128xf32> to vector<128x128xf32>
      %min3A_125 = arith.minimumf %min3A_123, %min3A_124 : vector<128x128xf32>
      %min3A_126 = vector.broadcast %slice3A_115 : vector<128x1xf32> to vector<128x128xf32>
      %min3A_127 = vector.broadcast %slice3A_18 : vector<1x128xf32> to vector<128x128xf32>
      %min3A_128 = arith.minimumf %min3A_126, %min3A_127 : vector<128x128xf32>
      %sub3A_129 = arith.subf %min3A_125, %max3A_119 : vector<128x128xf32>
      %max3A_130 = arith.constant 0.000000e+00 : f32
      %max3A_131 = vector.broadcast %max3A_130 : f32 to vector<128x128xf32>
      %max3A_132 = arith.maximumf %sub3A_129, %max3A_131 : vector<128x128xf32>
      %sub3A_133 = arith.subf %min3A_128, %max3A_122 : vector<128x128xf32>
      %max3A_134 = arith.constant 0.000000e+00 : f32
      %max3A_135 = vector.broadcast %max3A_134 : f32 to vector<128x128xf32>
      %max3A_136 = arith.maximumf %sub3A_133, %max3A_135 : vector<128x128xf32>
      %mul3A_137 = arith.mulf %max3A_132, %max3A_136 : vector<128x128xf32>
      %add3A_138 = vector.broadcast %slice3A_116 : vector<128x1xf32> to vector<128x128xf32>
      %add3A_139 = vector.broadcast %slice3A_19 : vector<1x128xf32> to vector<128x128xf32>
      %add3A_140 = arith.addf %add3A_138, %add3A_139 : vector<128x128xf32>
      %sub3A_141 = arith.subf %add3A_140, %mul3A_137 : vector<128x128xf32>
      %div3A_142 = arith.divf %mul3A_137, %sub3A_141 : vector<128x128xf32>
      %gt3A_143 = arith.constant 5.000000e-01 : f32
      %gt3A_144 = vector.broadcast %gt3A_143 : f32 to vector<128x128xf32>
      %gt3A_145 = arith.cmpf ogt, %div3A_142, %gt3A_144 : vector<128x128xf32>
      %convert_element_type3A_146 = arith.extui %gt3A_145 : vector<128x128xi1> to vector<128x128xi32>
      %convert_element_type3A_147 = arith.sitofp %convert_element_type3A_146 : vector<128x128xi32> to vector<128x128xf32>
      %reduce_max3A = arith.constant dense<0xFF800000> : vector<128xf32>
      %reduce_max3A_148 = vector.multi_reduction <maximumf>, %convert_element_type3A_147, %reduce_max3A [0] : vector<128x128xf32> to vector<128xf32>
      %broadcast_in_dim3A_149 = vector.shape_cast %reduce_max3A_148 : vector<128xf32> to vector<1x128xf32>
      %max3A_150 = arith.maximumf %while3A_106, %broadcast_in_dim3A_149 : vector<1x128xf32>
      scf.yield %max3A_150 : vector<1x128xf32>
    }
    %iota3A_58 = tpu.iota {dimensions = array<i32: 0>} : vector<128x1xi32>
    %max3A = vector.broadcast %slice3A : vector<128x1xf32> to vector<128x128xf32>
    %max3A_59 = vector.broadcast %slice3A_15 : vector<1x128xf32> to vector<128x128xf32>
    %max3A_60 = arith.maximumf %max3A, %max3A_59 : vector<128x128xf32>
    %max3A_61 = vector.broadcast %slice3A_11 : vector<128x1xf32> to vector<128x128xf32>
    %max3A_62 = vector.broadcast %slice3A_16 : vector<1x128xf32> to vector<128x128xf32>
    %max3A_63 = arith.maximumf %max3A_61, %max3A_62 : vector<128x128xf32>
    %min3A = vector.broadcast %slice3A_12 : vector<128x1xf32> to vector<128x128xf32>
    %min3A_64 = vector.broadcast %slice3A_17 : vector<1x128xf32> to vector<128x128xf32>
    %min3A_65 = arith.minimumf %min3A, %min3A_64 : vector<128x128xf32>
    %min3A_66 = vector.broadcast %slice3A_13 : vector<128x1xf32> to vector<128x128xf32>
    %min3A_67 = vector.broadcast %slice3A_18 : vector<1x128xf32> to vector<128x128xf32>
    %min3A_68 = arith.minimumf %min3A_66, %min3A_67 : vector<128x128xf32>
    %sub3A_69 = arith.subf %min3A_65, %max3A_60 : vector<128x128xf32>
    %max3A_70 = arith.constant 0.000000e+00 : f32
    %max3A_71 = vector.broadcast %max3A_70 : f32 to vector<128x128xf32>
    %max3A_72 = arith.maximumf %sub3A_69, %max3A_71 : vector<128x128xf32>
    %sub3A_73 = arith.subf %min3A_68, %max3A_63 : vector<128x128xf32>
    %max3A_74 = arith.constant 0.000000e+00 : f32
    %max3A_75 = vector.broadcast %max3A_74 : f32 to vector<128x128xf32>
    %max3A_76 = arith.maximumf %sub3A_73, %max3A_75 : vector<128x128xf32>
    %mul3A = arith.mulf %max3A_72, %max3A_76 : vector<128x128xf32>
    %add3A_77 = vector.broadcast %slice3A_14 : vector<128x1xf32> to vector<128x128xf32>
    %add3A_78 = vector.broadcast %slice3A_19 : vector<1x128xf32> to vector<128x128xf32>
    %add3A_79 = arith.addf %add3A_77, %add3A_78 : vector<128x128xf32>
    %sub3A_80 = arith.subf %add3A_79, %mul3A : vector<128x128xf32>
    %div3A_81 = arith.divf %mul3A, %sub3A_80 : vector<128x128xf32>
    %gt3A_82 = arith.constant 5.000000e-01 : f32
    %gt3A_83 = vector.broadcast %gt3A_82 : f32 to vector<128x128xf32>
    %gt3A_84 = arith.cmpf ogt, %div3A_81, %gt3A_83 : vector<128x128xf32>
    %gt3A_85 = vector.broadcast %iota3A : vector<1x128xi32> to vector<128x128xi32>
    %gt3A_86 = vector.broadcast %iota3A_58 : vector<128x1xi32> to vector<128x128xi32>
    %gt3A_87 = arith.cmpi sgt, %gt3A_85, %gt3A_86 : vector<128x128xi32>
    %and3A_88 = arith.andi %gt3A_84, %gt3A_87 : vector<128x128xi1>
    %jit3A_89 = arith.constant 1.000000e+00 : f32
    %jit3A_90 = arith.constant 0.000000e+00 : f32
    %broadcast_in_dim3A_91 = vector.broadcast %jit3A_89 : f32 to vector<128x128xf32>
    %broadcast_in_dim3A_92 = vector.broadcast %jit3A_90 : f32 to vector<128x128xf32>
    %select_n3A_93 = arith.select %and3A_88, %broadcast_in_dim3A_91, %broadcast_in_dim3A_92 : vector<128x128xi1>, vector<128x128xf32>
    %swap3A = arith.constant 0 : index
    %swap3A_94 = arith.constant 0 : index
    %swap3A_95 = vector.load %arg6[%swap3A, %swap3A_94] : memref<128x128xf32, #tpu.memory_space<vmem>>, vector<128x128xf32>
    tpu.vector_store %arg6[%swap3A, %swap3A_94], %select_n3A_93 {strides = array<i32>} : memref<128x128xf32, #tpu.memory_space<vmem>>, vector<128x128xf32>,
    %sub3A_96 = arith.constant 1.000000e+00 : f32
    %sub3A_97 = vector.broadcast %sub3A_96 : f32 to vector<1x128xf32>
    %sub3A_98 = arith.subf %sub3A_97, %while3A_57 : vector<1x128xf32>
    %swap3A_99 = arith.constant 0 : index
    %swap3A_100 = arith.constant 0 : index
    %swap3A_101 = arith.constant 0 : index
    %swap3A_102 = vector.load %arg3[%swap3A_99, %swap3A_100, %swap3A_101] : memref<1x1x128xf32, #tpu.memory_space<vmem>>, vector<1x1x128xf32>
    %swap3A_103 = vector.shape_cast %swap3A_102 : vector<1x1x128xf32> to vector<1x128xf32>
    %swap3A_104 = vector.shape_cast %sub3A_98 : vector<1x128xf32> to vector<1x1x128xf32>
    tpu.vector_store %arg3[%swap3A_99, %swap3A_100, %swap3A_101], %swap3A_104 {strides = array<i32>} : memref<1x1x128xf32, #tpu.memory_space<vmem>>, vector<1x1x128xf32>,
    return
  }
  func.func @transform_0(%arg0: i32) -> (i32, i32, i32) {
    %c0_i32 = arith.constant 0 : i32
    %c0_i32_0 = arith.constant 0 : i32
    %c0_i32_1 = arith.constant 0 : i32
    return %arg0, %c0_i32, %c0_i32_0 : i32, i32, i32
  }
  func.func @transform_1(%arg0: i32) -> (i32, i32, i32) {
    %c0_i32 = arith.constant 0 : i32
    %c0_i32_0 = arith.constant 0 : i32
    %c0_i32_1 = arith.constant 0 : i32
    return %arg0, %c0_i32, %c0_i32_0 : i32, i32, i32
  }
  func.func @transform_2(%arg0: i32) -> (i32, i32, i32) {
    %c0_i32 = arith.constant 0 : i32
    %c0_i32_0 = arith.constant 0 : i32
    %c0_i32_1 = arith.constant 0 : i32
    return %arg0, %c0_i32, %c0_i32_0 : i32, i32, i32
  }
}

</mosaic_0001>

<sc_bundles>
// kernel: gather_offload_async_start
scs
__scs_entry_jumppad:
0x0: {  	(pc) =	sbr.rel $0x88, $3  }
0x1: {  	(tag) =	ssettag $0x0;
	lr =	simm.s32 $0x1  }
0x2: {  	[smem:$0x3FA0] =	sst lr;
	_ =	strace $0xD0000000  }
0x3: {  	_ = 	snop  }
0x4: {  	_ = 	snop  }
0x5: {  	_ = 	snop  }
0x6: {  	_ = 	snop  }
0x7: {  	_ = 	snop  }
__scs_overlays_trampoline_lowered:
0x8: {  	[smem:$0x3FAF] =	sst s0  }
0x9: {  	[smem:$0x3FB0] =	sst s1  }
0xa: {  	[smem:$0x3FB1] =	sst s2  }
0xb: {  	[smem:$0x3FB2] =	sst s3  }
0xc: {  	[smem:$0x3FB3] =	sst s4  }
0xd: {  	[smem:$0x3FB4] =	sst s5  }
0xe: {  	[smem:$0x3FB5] =	sst s6  }
0xf: {  	[smem:$0x3FB6] =	sst s7  }
0x10: {  	[smem:$0x3FB7] =	sst s8  }
0x11: {  	[smem:$0x3FB8] =	sst s9;
	s0 =	simm.s32 @!p0 $0x0  }
0x12: {  	s1 =	sld [smem:$0x3F9E];
	s0 =	simm.s32 @p0 $0x1  }
0x13: {  	[smem:$0x3FB9] =	sst s0;
	s0 =	simm.s32 @!p1 $0x0  }
0x14: {  	s2 =	sld [smem:$0x3F9D];
	s0 =	simm.s32 @p1 $0x1  }
0x15: {  	[smem:$0x3FBA] =	sst s0;
	s0 =	simm.s32 @!p2 $0x0  }
0x16: {  	s3 =	sld [smem:$0x3FDB];
	s0 =	simm.s32 @p2 $0x1  }
0x17: {  	s4 =	simm.s32 $0x1BF5;
	[smem:$0x3FBC] =	sst s0  }
0x18: {  	s0 =	sld [smem:$0x3F9F];
	_ =	swait.ge [sflag:s4], $0x0  }
0x19: {  	s7 =	sld [smem:$0x3FA0]  }
0x1a: {  	s8 =	sadd.s32 $0xFFFFE003, lr  }
0x1b: {  	s9 =	sadd.s32 $0xFFFFFEF7, lr;
	s5 =	simm.s32 $0xFFFFFFFF;
	p2 =	slt.u32 s8, $0xFFFFF086  }
0x1c: {  	p1 =	slt.u32 s9, $0xF7A;
	s5 =	simm.s32 @!p2 $0x0  }
0x1d: {  	s5 =	simm.s32 @p1 $0x1;
	p0 =	seq.s32 s7, s2  }
0x1e: {  	s7 =	smul.u32 @!p0 $0xF7A, s2;
	p2 =	seq.s32 @!p0 s5, $0x0  }
0x1f: {  	s9 =	smul.u32 $0xF7A, s1;
	s8 =	simm.s32 @!p0 $0x1BF5;
	p2 =	por !p2, p0  }
0x20: {  	[sflag:s8] =	ssyncset.s32 @!p0 $0xFFFFF086;
	s6 =	sadd.s32 @!p0 s3, s7;
	s7 =	simm.s32 @!p0 $0x108  }
0x21: {  	s3 =	sadd.s32 s3, s9;
	s6 =	sadd.s32 @!p0 $0x88, s6;
	s7 =	simm.s32 @p2 $0x1082  }
0x22: {  	[simem:s7], [sflag:s8] =	dma.local @!p0 [hbm:s6], $0xF7A  }
0x23: {  	s9 =	sor.u32 $0xD0000000, s2;
	s6 =	simm.s32 $0x108;
	_ =	swait.ge @!p0 [sflag:s8], $0x0  }
0x24: {  	s3 =	sadd.s32 $0x88, s3;
	s6 =	simm.s32 @!p1 $0x1082;
	[sflag:s4] =	ssyncset.s32 $0xFFFFF086  }
0x25: {  	[simem:s6], [sflag:s4] =	dma.local [hbm:s3], $0xF7A  }
0x26: {  	[smem:$0x3FA0] =	sst s1;
	(tag) =	ssettag s2;
	_ =	strace s9  }
0x27: {  	s1 =	sld [smem:$0x3FB0]  }
0x28: {  	s2 =	sld [smem:$0x3FB1]  }
0x29: {  	s4 =	sld [smem:$0x3FB3]  }
0x2a: {  	p0 =	seq.s32 s5, $0x0;
	s5 =	sld [smem:$0x3FB4]  }
0x2b: {  	s6 =	sld [smem:$0x3FB5]  }
0x2c: {  	s7 =	sld [smem:$0x3FB6]  }
0x2d: {  	s3 =	simm.s32 $0x108;
	s8 =	sld [smem:$0x3FB7]  }
0x2e: {  	s3 =	simm.s32 @!p0 $0x1082;
	s9 =	sld [smem:$0x3FB8]  }
0x2f: {  	lr =	sadd.s32 s0, s3;
	s0 =	sld [smem:$0x3FAF]  }
0x30: {  	s3 =	sld [smem:$0x3FB2]  }
0x31: {  	[smem:$0x3FBB] =	sst s10  }
0x32: {  	s10 =	sld [smem:$0x3FB9];
	_ =	sdelay $0x3  }
0x33: {  	p0 =	seq.s32 s10, $0x1;
	s10 =	sld [smem:$0x3FBB];
	_ =	sdelay $0x3  }
0x34: {  	[smem:$0x3FBB] =	sst s10  }
0x35: {  	s10 =	sld [smem:$0x3FBA];
	_ =	sdelay $0x3  }
0x36: {  	p1 =	seq.s32 s10, $0x1;
	s10 =	sld [smem:$0x3FBB];
	_ =	sdelay $0x3  }
0x37: {  	[smem:$0x3FBB] =	sst s10  }
0x38: {  	s10 =	sld [smem:$0x3FBC]  }
0x39: {  	_ = 	snop;
	(pc) =	sbr.ind lr, $3  }
0x3a: {  	_ = 	snop  }
0x3b: {  	_ = 	snop  }
0x3c: {  	p2 =	seq.s32 s10, $0x1;
	s10 =	sld [smem:$0x3FBB]  }
0x3d: {  	_ =	shalt  }
0x3e: {  	_ =	shalt  }
0x3f: {  	_ =	shalt  }
0x40: {  	_ =	shalt  }
0x41: {  	_ =	shalt  }
0x42: {  	_ =	shalt  }
0x43: {  	_ =	shalt  }
0x44: {  	_ =	shalt  }
0x45: {  	_ =	shalt  }
0x46: {  	_ =	shalt  }
0x47: {  	_ =	shalt  }
0x48: {  	_ =	shalt  }
0x49: {  	_ =	shalt  }
0x4a: {  	_ =	shalt  }
0x4b: {  	_ =	shalt  }
0x4c: {  	_ =	shalt  }
0x4d: {  	_ =	shalt  }
0x4e: {  	_ =	shalt  }
0x4f: {  	_ =	shalt  }
0x50: {  	_ =	shalt  }
0x51: {  	_ =	shalt  }
0x52: {  	_ =	shalt  }
0x53: {  	_ =	shalt  }
0x54: {  	_ =	shalt  }
0x55: {  	_ =	shalt  }
0x56: {  	_ =	shalt  }
0x57: {  	_ =	shalt  }
0x58: {  	_ =	shalt  }
0x59: {  	_ =	shalt  }
0x5a: {  	_ =	shalt  }
0x5b: {  	_ =	shalt  }
0x5c: {  	_ =	shalt  }
0x5d: {  	_ =	shalt  }
0x5e: {  	_ =	shalt  }
0x5f: {  	_ =	shalt  }
0x60: {  	_ =	shalt  }
0x61: {  	_ =	shalt  }
0x62: {  	_ =	shalt  }
0x63: {  	_ =	shalt  }
0x64: {  	_ =	shalt  }
0x65: {  	_ =	shalt  }
0x66: {  	_ =	shalt  }
0x67: {  	_ =	shalt  }
0x68: {  	_ =	shalt  }
0x69: {  	_ =	shalt  }
0x6a: {  	_ =	shalt  }
0x6b: {  	_ =	shalt  }
0x6c: {  	_ =	shalt  }
0x6d: {  	_ =	shalt  }
0x6e: {  	_ =	shalt  }
0x6f: {  	_ =	shalt  }
0x70: {  	_ =	shalt  }
0x71: {  	_ =	shalt  }
0x72: {  	_ =	shalt  }
0x73: {  	_ =	shalt  }
0x74: {  	_ =	shalt  }
0x75: {  	_ =	shalt  }
0x76: {  	_ =	shalt  }
0x77: {  	_ =	shalt  }
0x78: {  	_ =	shalt  }
0x79: {  	_ =	shalt  }
0x7a: {  	_ =	shalt  }
0x7b: {  	_ =	shalt  }
0x7c: {  	_ =	shalt  }
0x7d: {  	_ =	shalt  }
0x7e: {  	_ =	shalt  }
0x7f: {  	_ =	shalt  }
0x80: {  	_ =	shalt  }
0x81: {  	_ =	shalt  }
0x82: {  	_ =	shalt  }
0x83: {  	_ =	shalt  }
0x84: {  	_ =	shalt  }
0x85: {  	_ =	shalt  }
0x86: {  	_ =	shalt  }
0x87: {  	_ =	shalt  }
.Lfunc_end0:
.L_simem_size_0:
called_computation_lowered:
.L_overlay_start_0:
0x88: {  	s2 =	sld [smem:$0x3FD9]  }
0x89: {  	s3 =	sld [smem:$0x3FFE];
	_ =	sdelay $0x1  }
0x8a: {  	s1 =	srdreg.scid  }
0x8b: {  	s0 =	sand.u32 $0x1, s1  }
0x8c: {  	s17 =	sshll.u32 s0, $0xA;
	s2 =	sadd.s32 s3, s2  }
0x8d: {  	s2 =	sadd.s32 s2, s17  }
0x8e: {  	[smem:$0x3FC7] =	sst s2  }
0x8f: {  	_ = 	snop  }
0x90: {  	s2 =	sld [smem:$0x3FD0];
	(tm) =	ssettm $0x1  }
0x91: {  	s18 =	sld [smem:$0x3FFB];
	_ =	sdelay $0x3  }
0x92: {  	_ =	strace s18  }
0x93: {  	s3 =	sld [smem:$0x3FFC];
	_ =	sdelay $0x3  }
0x94: {  	_ =	strace s3  }
0x95: {  	s3 =	sld [smem:$0x3FFD];
	_ =	sdelay $0x3  }
0x96: {  	_ =	strace s3  }
0x97: {  	_ =	strace $0x8FFFFFFF  }
0x98: {  	s19 =	sld [smem:$0x3FDB];
	_ =	sdelay $0x1  }
0x99: {  	s4 =	simm.s32 $_scs_section_size  }
0x9a: {  	s5 =	simm.s32 $_size__tile_overlayer_lowered;
	s6 =	simm.s32 $_tile_overlayer_lowered  }
0x9b: {  	s22 =	simm.s32 $0x1BFF;
	s21 =	sshll.u32 s6, $0x1;
	s3 =	sadd.s32 s4, s19  }
0x9c: {  	s7 =	simm.s32 $0x0;
	s20 =	sshll.u32 s5, $0x1;
	s5 =	sadd.s32 s21, s3  }
0x9d: {  	[timem:s7], [sflag:s22] =	dma.local [hbm:s5], s20  }
0x9e: {  	_ =	swait.ge [sflag:s22], s20  }
0x9f: {  	s4 =	ssub.s32 $0x0, s20;
	[sflag:s22] =	ssyncset.done $0x0  }
0xa0: {  	[sflag:s22] =	ssyncadd.s32 s4;
	_ =	sdelay $0x1  }
0xa1: {  	s23 =	simm.s32 $0x1B8B  }
0xa2: {  	_ =	swait.ge [sflag:s23], $0x1  }
0xa3: {  	[sflag:s23] =	ssyncset.done $0x0  }
0xa4: {  	s25 =	simm.s32 $0x1B8E;
	s24 =	sld [smem:$0x3FFE];
	[sflag:s23] =	ssyncadd.s32 $0xFFFFFFFF  }
0xa5: {  	s26 =	simm.s32 $execute0_lowered;
	[smem:$0x3FD2] =	sst s25  }
0xa6: {  	s5 =	sshll.u32 s26, $0x1;
	_ =	strace $0x80000046;
	[dreg:$0x1] =	wrdreg $0xFFFFFFFF  }
0xa7: {  	s28 =	simm.s32 $_size_execute0_lowered;
	s3 =	sadd.s32 s3, s5;
	[dreg:$0x0] =	wrdreg $0x0  }
0xa8: {  	s5 =	sshll.u32 s28, $0x1;
	[dreg:$0x2] =	wrdreg s3  }
0xa9: {  	[dreg:$0x3] =	wrdreg s5  }
0xaa: {  	[dreg:$0x4] =	wrdreg $0xC0  }
0xab: {  	_ =	task [dreg:s7], $0x5FFFF  }
0xac: {  	[dreg:$0x1] =	wrdreg $0xFFFFFFFF  }
0xad: {  	[dreg:$0x0] =	wrdreg $0x60  }
0xae: {  	[dreg:$0x2] =	wrdreg s24  }
0xaf: {  	[dreg:$0x3] =	wrdreg s2  }
0xb0: {  	[dreg:$0x4] =	wrdreg $0x9  }
0xb1: {  	_ =	task.clear_ibuf [dreg:s7], $0x5FFFF;
	_ =	strace $0x90000046  }
0xb2: {  	s29 =	simm.s32 $0x9;
	_ =	strace $0x80000048  }
0xb3: {  	_ =	swait.ge [sflag:s29], $0x1  }
0xb4: {  	[sflag:s29] =	ssyncadd.s32 $0xFFFFFFFF  }
0xb5: {  	_ =	strace $0x90000048  }
0xb6: {  	_ =	sfence  }
0xb7: {  	s30 =	sld [smem:$0x0];
	_ =	sdelay $0x2  }
0xb8: {  	s31 =	sshll.u32 s1, $0xD;
	s1 =	sshrl.u32 s1, $0x2  }
0xb9: {  	s3 =	sand.u32 $0x4000, s31;
	s1 =	sadd.s32 s1, s30  }
0xba: {  	s0 =	sor.u32 s3, s0;
	s1 =	sshll.u32 s1, $0x11  }
0xbb: {  	s0 =	sor.u32 s1, s0  }
0xbc: {  	s0 =	sadd.s32 $0x8F2B, s0  }
0xbd: {  	[sflag:s0] =	ssyncadd.remote.s32 $0x1  }
0xbe: {  	_ =	sfence.sel $0xFFFF  }
0xbf: {  	[dreg:$0x0] =	wrdreg $0xFFFFFFFF;
	(pc) =	sbr.abs _section_cstart, $3  }
0xc0: {  	[dreg:$0x1] =	wrdreg $0xFFFFFFFF  }
0xc1: {  	_ =	task.clear_ibuf [dreg:s7], $0x2FFFF;
	_ =	strace $0x9FFFFFFF  }
0xc2: {  	(tm) =	ssettm $0x7FFFFFFF  }
0xc3: {  	_ =	shalt  }
tec
execute0_lowered:
.L_overlay_start_1:
0x0: {  	(tag) =	ssettag $0x1  }
0x1: {  	s0 =	srdreg.scid  }
0x2: {  	s1 =	sshll.u32 s0, $0x4  }
0x3: {  	s0 =	stileid.u32;
	s1 =	sand.u32 $0x10, s1  }
0x4: {  	s2 =	sor.u32 s0, s1  }
0x5: {  	s1 =	smin.u32 s2, $0x12  }
0x6: {  	s1 =	sadd.s32 s2, s1  }
0x7: {  	p0 =	slt.u32 s2, $0x12;
	s2 =	simm.s32 $0x320;
	s1 =	smul.u32 $0x190, s1  }
0x8: {  	s2 =	simm.s32 @!p0 $0x190  }
0x9: {  	s2 =	sadd.s32 s2, s1  }
0xa: {  	s3 =	smin.u32 s2, $0x4E20  }
0xb: {  	s7 =	ssub.s32 s3, s1  }
0xc: {  	p0 =	sgt.s32 s7, $0x0  }
0xd: {  	s7 =	simm.s32 @!p0 $0x0  }
0xe: {  	s31 =	sand.u32 $0xFFF0, s7  }
0xf: {  	s2 =	sshrl.u32 s31, $0x4  }
0x10: {  	s4 =	rddreg [dreg:$0x0];
	s2 =	smul.u32 $0xA3E, s2  }
0x11: {  	s5 =	rddreg [dreg:$0x1]  }
0x12: {  	s6 =	simm.s32 $0x1;
	s10 =	simm.s32 $0x3;
	s8 =	sshrl.u32 s2, $0x10  }
0x13: {  	s13 =	simm.s32 $0x0;
	s12 =	simm.s32 $0x0;
	s9 =	smul.u32 $0x190, s8  }
.Ltmp0:
0x14: {  	s11 =	smov.u32 s1;
	s2 =	rddreg [dreg:$0x2];
	(pc) =	sbr.rel .LBB2_1-.Ltmp0, $4  }
0x15: {  	_ =	strace $0x80000047;
	p0 =	sne.s32 s7, s9;
	s9 =	simm.s32 $0x1  }
0x16: {  	[sflag:s6] =	ssyncpa.u1 $0x0;
	s7 =	simm.s32 $0x2;
	s9 =	simm.s32 @!p0 $0x0  }
0x17: {  	[sflag:s7] =	ssyncpa.u1 $0x0;
	p0 =	por $0x0, $0x0;
	s8 =	sadd.s32 s8, s9  }
0x18: {  	vm0 =	vmmov $0xff;
	vm1 =	vcmask $0x3F20;
	s9 =	sadd.s32 $0x4E200, s4;
	[sflag:s10] =	ssyncpa.u1 $0x0;
	s10 =	sadd.s32 $0x1, s8  }
.LBB2_6:
0x19: {  	[hbm:s17] =	stream.linear.scatter [tilespmem:s14], [sflag:$0x3], $0x400, $0x38;
	[tilespmem:$0x19320] =	vst v63  }
.LBB2_7:
0x1a: {  	s13 =	sadd.s32 $0x190, s11  }
0x1b: {  	s15 =	smov.u32 s1;
	p2 =	slt.s32 s13, s3  }
0x1c: {  	s15 =	smov.u32 @p2 s13;
	p2 =	sne.s32 s12, s10  }
.Ltmp1:
0x1d: {  	p1 =	slt.u32 s12, $0x2;
	(pc) =	sbr.rel @!p2 .LBB2_8-.Ltmp1, $4  }
0x1e: {  	s14 =	simm.s32 @!p1 $0x3  }
0x1f: {  	s16 =	sadd.s32 $0x1, s12;
	_ =	swait.ge @!p1 [sflag:s14], $0xC800  }
0x20: {  	p0 =	por !p0, !p0;
	s13 =	smov.u32 s11;
	[sflag:s14] =	ssyncset.done @!p1 $0x0  }
0x21: {  	s12 =	smov.u32 s16;
	s11 =	smov.u32 s15;
	[sflag:s14] =	ssyncadd.s32 @!p1 $0xFFFF3800  }
.LBB2_1:
0x22: {  	p1 =	sge.u32 s12, s8  }
0x23: {  	s14 =	sxor.u32 @!p1 $0xFFFFFFFF, s12  }
0x24: {  	s14 =	sand.u32 @!p1 $0x1, s14  }
0x25: {  	s14 =	smul.u32 @!p1 $0x640, s14  }
0x26: {  	s31 =	sadd.s32 $0xFFFFFFFF, s12;
	s15 =	sshrl.u32 @!p1 s11, $0x3  }
0x27: {  	s16 =	sand.u32 @!p1 $0x7, s11;
	s15 =	sadd.s32 @!p1 s5, s15;
	s14 =	sshrl.u32 @!p1 s14, $0x2  }
0x28: {  	[tilespmem:s14], [sflag:$0x2] =	stream.linear.gather @!p1 [hbm4b:s15+s16], $0x190, $0x38;
	[tilespmem:$0x19320] =	vst v63  }
0x29: {  	p1 =	sge.u32 s31, s8  }
.Ltmp2:
0x2a: {  	_ = 	snop;
	(pc) =	sbr.rel @p1 .LBB2_7-.Ltmp2, $1  }
0x2b: {  	_ =	sdelay $0x3  }
0x2c: {  	s14 =	simm.s32 $0x1  }
0x2d: {  	s14 =	simm.s32 @!p0 $0x0  }
0x2e: {  	s15 =	smul.u32 $0x640, s14  }
0x2f: {  	_ =	swait.ge [sflag:s7], $0x190  }
0x30: {  	[sflag:s7] =	ssyncset.done $0x0;
	s16 =	sshrl.u32 s15, $0x2  }
0x31: {  	[sflag:s7] =	ssyncadd.s32 $0xFFFFFE70;
	s15 =	sadd.s32 $0x0, s16  }
0x32: {  	v0 =	vld.msk [tilespmem:s15+$0x0 ss:$0x1], $0xffff;
	_ =	sdelay $0x4  }
0x33: {  	vm2 =	vgt.s32 v0, $0x0  }
0x34: {  	v0 =	vnsel vm2, $0x0, v0  }
0x35: {  	v0 =	vmin.u32 v0, $0x4E1F  }
0x36: {  	v0 =	vshll.u32 v0, $0x4  }
0x37: {  	s14 =	smul.u32 $0x32000, s14;
	_ =	sdelay $0x1  }
0x38: {  	s14 =	sshrl.u32 s14, $0x2  }
0x39: {  	s14 =	sor.u32 $0x320, s14  }
0x3a: {  	[tilespmem:s14], [sflag:$0x1] =	stream.indirect_vreg.gather [hbm:s4], $0x80, v0, vm0, $0x38;
	[tilespmem:$0x19320] =	vst v63  }
0x3b: {  	s17 =	sadd.s32 $0x10, s16;
	s15 =	sadd.s32 $0x400, s14  }
0x3c: {  	[tilespmem:s15], [sflag:$0x1] =	stream.indirect_vreg.gather [hbm:s4], $0x80, v0, vm1, $0x38;
	[tilespmem:$0x19320] =	vst v63  }
0x3d: {  	s18 =	simm.s32 $0x80;
	v0 =	vld.msk [tilespmem:s17+$0x0 ss:$0x1], $0xffff;
	s17 =	smov.u32 s14  }
.LBB2_3:
0x3e: {  	p1 =	sne.s32 s18, $0x600;
	_ =	sdelay $0x4  }
0x3f: {  	vm2 =	vgt.s32 v0, $0x0  }
0x40: {  	v0 =	vnsel vm2, $0x0, v0  }
0x41: {  	v0 =	vmin.u32 v0, $0x4E1F  }
0x42: {  	v0 =	vshll.u32 v0, $0x4;
	_ =	sdelay $0x3  }
.Ltmp3:
0x43: {  	s19 =	sshra.s32 s18, $0x2;
	s17 =	sadd.s32 $0x800, s17;
	(pc) =	sbr.rel @p1 .LBB2_3-.Ltmp3, $4  }
0x44: {  	[tilespmem:s17], [sflag:$0x1] =	stream.indirect_vreg.gather [hbm:s4], $0x80, v0, vm0, $0x38;
	[tilespmem:$0x19320] =	vst v63  }
0x45: {  	s19 =	sadd.s32 s19, s16;
	s20 =	sadd.s32 $0x400, s17  }
0x46: {  	[tilespmem:s20], [sflag:$0x1] =	stream.indirect_vreg.gather [hbm:s4], $0x80, v0, vm1, $0x38;
	[tilespmem:$0x19320] =	vst v63  }
0x47: {  	s18 =	sadd.s32 $0x40, s18;
	v0 =	vld.msk [tilespmem:s19+$0x0 ss:$0x1], $0xffff  }
0x48: {  	_ =	sdelay $0x3  }
0x49: {  	vm2 =	vgt.s32 v0, $0x0  }
0x4a: {  	v0 =	vnsel vm2, $0x0, v0  }
0x4b: {  	v0 =	vmin.u32 v0, $0x4E1F  }
0x4c: {  	v0 =	vshll.u32 v0, $0x4;
	_ =	sdelay $0x3  }
0x4d: {  	s16 =	sadd.s32 $0x800, s17  }
0x4e: {  	[tilespmem:s16], [sflag:$0x1] =	stream.indirect_vreg.gather [hbm:s4], $0x80, v0, vm0, $0x38;
	[tilespmem:$0x19320] =	vst v63  }
0x4f: {  	s16 =	sadd.s32 $0x400, s16  }
0x50: {  	[tilespmem:s16], [sflag:$0x1] =	stream.indirect_vreg.gather [hbm:s4], $0x80, v0, vm1, $0x38;
	[tilespmem:$0x19320] =	vst v63  }
0x51: {  	s13 =	sshll.u32 s13, $0x4;
	_ =	swait.ge [sflag:s6], $0xC800  }
0x52: {  	s13 =	sadd.s32 s13, s9;
	[sflag:s6] =	ssyncset.done $0x0  }
0x53: {  	s17 =	sadd.s32 $0x0, s13;
	s16 =	simm.s32 $0x80;
	[sflag:s6] =	ssyncadd.s32 $0xFFFF3800  }
.LBB2_5:
0x54: {  	[hbm:s17] =	stream.linear.scatter [tilespmem:s14], [sflag:$0x3], $0x400, $0x38;
	[tilespmem:$0x19320] =	vst v63  }
0x55: {  	s17 =	smov.u32 s16;
	s14 =	smov.u32 s15;
	p1 =	sne.s32 s16, $0x1880  }
.Ltmp4:
0x56: {  	s16 =	sadd.s32 $0x80, s16;
	(pc) =	sbr.rel @p1 .LBB2_5-.Ltmp4, $2  }
0x57: {  	_ =	sdelay $0x2  }
0x58: {  	s15 =	sadd.s32 $0x400, s15;
	s17 =	sadd.s32 s17, s13  }
.Ltmp5:
0x59: {  	_ = 	snop;
	(pc) =	sbr.rel .LBB2_6-.Ltmp5, $1  }
0x5a: {  	_ =	sdelay $0x3  }
.LBB2_8:
0x5b: {  	_ =	sfence.sel $0x180000  }
0x5c: {  	s1 =	simm.s32 $0x2;
	[bflag:$0x0] =	sbarrier.arrive $0xFFFF  }
0x5d: {  	s30 =	simm.s32 $0x3;
	[sflag:s1] =	ssyncpa.u1 $0x1  }
0x5e: {  	s31 =	simm.s32 $0x1;
	[sflag:s30] =	ssyncpa.u1 $0x1  }
0x5f: {  	[sflag:s31] =	ssyncpa.u1 $0x1  }
0x60: {  	p0 =	sne.s32 s0, $0x0;
	_ =	strace $0x90000047  }
0x61: {  	s0 =	sadd.s32 @!p0 $0x100000, s2;
	[bflag:$0x2] =	sbarrier.arrive $0xFFFF  }
0x62: {  	[sflag:s0] =	ssyncadd.tile.s32 @!p0 $0x1;
	_ =	shalt  }
.Lfunc_end2:
_tile_overlayer_lowered:
.L_overlay_start_2:
0x63: {  	(tag) =	ssettag $0x2  }
0x64: {  	s0 =	rddreg [dreg:$0x0];
	s2 =	stileid.u32  }
0x65: {  	s1 =	rddreg [dreg:$0x1];
	p0 =	sne.s32 s2, $0x0  }
0x66: {  	s3 =	rddreg [dreg:$0x2];
	[bflag:$0x3] =	sbarrier.arrive $0xFFFF;
	s2 =	simm.s32 @!p0 $0x1C01  }
0x67: {  	[timem:s3], [sflag:s2] =	dma.local @!p0 [hbm:s0], s1  }
0x68: {  	s0 =	simm.s32 @!p0 $0x1  }
0x69: {  	_ =	swait.ge @!p0 [sflag:s0], s1  }
0x6a: {  	s1 =	ssub.s32 @!p0 $0x0, s1;
	[sflag:s0] =	ssyncset.done @!p0 $0x0  }
0x6b: {  	[sflag:s0] =	ssyncadd.s32 @!p0 s1  }
0x6c: {  	[bflag:$0x3] =	sbarrier.arrive $0xFFFF  }
0x6d: {  	_ =	shalt  }

</sc_bundles>
